<compile_context>
chip_gen: v7x
topology: tpu7x:2x2x1
jax: 0.10.2.dev20260603
libtpu: 0.0.44.dev20260713+nightly
codegen_flags: <defaults>
</compile_context>

<pallas_src>
import functools

import jax
import jax.numpy as jnp
from jax import lax
from jax.experimental import pallas as pl
from jax.experimental.pallas import tpu as pltpu
from jax.experimental.pallas import tpu_sc as plsc

VOCAB = 4096
DIM = 3
NTOK = 65536
TBLK = 2048
NC, NS, LANES = 2, 16, 16
NW = NC * NS
TOK_W = NTOK // NW
GROUPS = TOK_W // LANES


def _tc_argmin_body(ft_ref, em2_ref, f2_ref, e2_ref, idx_ref):
    ftq = ft_ref[...].astype(jnp.bfloat16).astype(jnp.float32)
    ft = jnp.concatenate([ftq, f2_ref[...]], axis=0)
    cvt = jax.lax.dot_general(
        em2_ref[...], ft, (((1,), (0,)), ((), ())),
        preferred_element_type=jnp.float32)
    dist = cvt + e2_ref[...]
    idx_ref[...] = jnp.argmin(dist, axis=0)[None, :].astype(jnp.int32)


def _tc_argmin(ft_q, em2, f2, e2):
    return pl.pallas_call(
        _tc_argmin_body,
        grid=(NTOK // TBLK,),
        in_specs=[
            pl.BlockSpec((DIM, TBLK), lambda i: (0, i)),
            pl.BlockSpec((VOCAB, DIM + 1), lambda i: (0, 0)),
            pl.BlockSpec((1, TBLK), lambda i: (0, i)),
            pl.BlockSpec((VOCAB, 1), lambda i: (0, 0)),
        ],
        out_specs=pl.BlockSpec((1, TBLK), lambda i: (0, i)),
        out_shape=jax.ShapeDtypeStruct((1, NTOK), jnp.int32),
    )(ft_q, em2, f2, e2)


def _sc_lookup_body(embt_hbm, idx_hbm, feats_hbm, out_hbm, part_hbm,
                    emb_v, idx_v, f0_v, f1_v, f2_v, o0_v, o1_v, o2_v, acc_v):
    wid = lax.axis_index("s") * NC + lax.axis_index("c")
    base = wid * TOK_W
    f_refs = (f0_v, f1_v, f2_v)
    o_refs = (o0_v, o1_v, o2_v)
    pltpu.sync_copy(embt_hbm, emb_v)
    pltpu.sync_copy(idx_hbm.at[pl.ds(base, TOK_W)], idx_v)
    for d in range(DIM):
        pltpu.sync_copy(feats_hbm.at[pl.ds(d * NTOK + base, TOK_W)], f_refs[d])

    def body(i, acc):
        iv = idx_v[pl.ds(i * LANES, LANES)]
        for d in range(DIM):
            fv = f_refs[d][pl.ds(i * LANES, LANES)]
            ev = plsc.load_gather(emb_v, [iv + d * VOCAB])
            dd = ev - fv
            o_refs[d][pl.ds(i * LANES, LANES)] = fv + dd
            acc = acc + dd * dd
        return acc

    acc = lax.fori_loop(0, GROUPS, body, jnp.zeros((LANES,), jnp.float32))
    acc_v[...] = acc
    for d in range(DIM):
        pltpu.sync_copy(o_refs[d], out_hbm.at[pl.ds(d * NTOK + base, TOK_W)])
    pltpu.sync_copy(acc_v, part_hbm.at[wid])


@functools.cache
def _sc_lookup():
    return pl.kernel(
        _sc_lookup_body,
        out_type=[
            jax.ShapeDtypeStruct((NTOK * DIM,), jnp.float32),
            jax.ShapeDtypeStruct((NW, LANES), jnp.float32),
        ],
        mesh=plsc.VectorSubcoreMesh(core_axis_name="c", subcore_axis_name="s",
                                    num_cores=NC, num_subcores=NS),
        compiler_params=pltpu.CompilerParams(needs_layout_passes=False),
        scratch_types=[
            pltpu.VMEM((VOCAB * DIM,), jnp.float32),
            pltpu.VMEM((TOK_W,), jnp.int32),
            pltpu.VMEM((TOK_W,), jnp.float32),
            pltpu.VMEM((TOK_W,), jnp.float32),
            pltpu.VMEM((TOK_W,), jnp.float32),
            pltpu.VMEM((TOK_W,), jnp.float32),
            pltpu.VMEM((TOK_W,), jnp.float32),
            pltpu.VMEM((TOK_W,), jnp.float32),
            pltpu.VMEM((LANES,), jnp.float32),
        ],
    )


def kernel(feats, embedding):
    B, L, D = feats.shape
    flat = feats.reshape(NTOK, DIM)
    ft = jnp.transpose(feats, (2, 0, 1)).reshape(DIM, NTOK)
    f2 = jnp.sum(flat ** 2, axis=1)[None, :]
    e2 = jnp.sum(embedding ** 2, axis=1)[:, None]
    em2 = jnp.concatenate(
        [-2.0 * embedding, jnp.ones((VOCAB, 1), jnp.float32)], axis=1)
    idx2d = _tc_argmin(ft, em2, f2, e2)
    qst_t, partials = _sc_lookup()(
        jnp.transpose(embedding).reshape(-1),
        idx2d.reshape(-1),
        ft.reshape(-1))
    quant_st = jnp.transpose(qst_t.reshape(DIM, B, L), (1, 2, 0))
    loss = jnp.sum(partials) * jnp.float32(1.25 / (NTOK * DIM))
    return (quant_st, idx2d.reshape(B, L), loss)

# --- scband reference (transcript-rebuilt; emitter-appended) ---
"""Pipeline reference for scband-wavelet-tokenizer-14740327760386 (READ-ONLY COPY).

The authoritative reference and input builder live on the scoring server;
editing this copy changes nothing except your own understanding.
"""

import jax, jax.numpy as jnp
import numpy as np

VOCAB = 4096
CODE_DIM = 3

def setup_inputs(seed: int = 0) -> dict:
    key = jax.random.key(seed)
    k1, k2 = jax.random.split(key)
    feats = jax.random.normal(k1, (4, 16384, 3), dtype=jnp.float32)
    # xavier_uniform init for embedding (vocab_size, code_dim)
    bound = float(np.sqrt(6.0 / (VOCAB + CODE_DIM)))
    embedding = jax.random.uniform(k2, (VOCAB, CODE_DIM), dtype=jnp.float32, minval=-bound, maxval=bound)
    return {"feats": feats, "embedding": embedding}

def reference(feats, embedding):
    # Faithful eval-mode EMAVQ.forward (the quantize path of WaveletTokenizer)
    B, L, D = feats.shape
    flat = feats.reshape(-1, D)
    dist = (jnp.sum(flat ** 2, axis=1, keepdims=True)
            - 2.0 * (flat @ embedding.T)
            + jnp.sum(embedding ** 2, axis=1))
    idx = jnp.argmin(dist, axis=1)
    quant = jnp.take(embedding, idx, axis=0).reshape(B, L, D)
    loss = (jnp.mean((quant - jax.lax.stop_gradient(feats)) ** 2)
            + 0.25 * jnp.mean((feats - jax.lax.stop_gradient(quant)) ** 2))
    quant_st = feats + jax.lax.stop_gradient(quant - feats)
    return (quant_st, idx.reshape(B, L), loss)

if __name__ == "__main__":
    import jax
    _d = setup_inputs()
    print(jax.jit(kernel)(*tuple(_d.values())))

</pallas_src>

<mosaic_0001>
#map = affine_map<(d0, d1) -> (0)>
#map1 = affine_map<(d0, d1) -> (0, 0)>
module attributes {stable_mosaic.version = 14 : i64} {
  func.func @_sc_lookup_body(%arg0: i32, %arg1: i32, %arg2: memref<12288xf32, #tpu.memory_space<hbm>>, %arg3: memref<65536xi32, #tpu.memory_space<hbm>>, %arg4: memref<196608xf32, #tpu.memory_space<hbm>>, %arg5: memref<196608xf32, #tpu.memory_space<hbm>>, %arg6: memref<32x16xf32, #tpu.memory_space<hbm>>, %arg7: memref<12288xf32, #tpu.memory_space<vmem>>, %arg8: memref<2048xi32, #tpu.memory_space<vmem>>, %arg9: memref<2048xf32, #tpu.memory_space<vmem>>, %arg10: memref<2048xf32, #tpu.memory_space<vmem>>, %arg11: memref<2048xf32, #tpu.memory_space<vmem>>, %arg12: memref<2048xf32, #tpu.memory_space<vmem>>, %arg13: memref<2048xf32, #tpu.memory_space<vmem>>, %arg14: memref<2048xf32, #tpu.memory_space<vmem>>, %arg15: memref<16xf32, #tpu.memory_space<vmem>>) attributes {dimension_semantics = [#tpu.dimension_semantics<core_parallel>, #tpu.dimension_semantics<subcore_parallel>], iteration_bounds = array<i64: 2, 16>, scalar_prefetch = 0 : i64, scratch_operands = 9 : i64, tpu.core_type = #tpu.core_type<sc_vector_subcore>, window_params = [{transform_indices = #map}, {transform_indices = #map}, {transform_indices = #map}, {transform_indices = #map}, {transform_indices = #map1}]} {
    %mul3A = arith.constant 2 : i32
    %mul3A_0 = arith.muli %arg1, %mul3A : i32
    %add3A = arith.addi %mul3A_0, %arg0 : i32
    %mul3A_1 = arith.constant 2048 : i32
    %mul3A_2 = arith.muli %add3A, %mul3A_1 : i32
    "tpu.region"() ({
      %run_scoped3A = tpu.sem_alloc : memref<!tpu.dma_semaphore, #tpu.memory_space<semaphore_mem>>
      tpu.enqueue_dma source(%arg2 : memref<12288xf32, #tpu.memory_space<hbm>>) target(%arg7 : memref<12288xf32, #tpu.memory_space<vmem>>) target_semaphore(%run_scoped3A : memref<!tpu.dma_semaphore, #tpu.memory_space<semaphore_mem>>)
      tpu.wait_dma2 semaphore(%run_scoped3A : memref<!tpu.dma_semaphore, #tpu.memory_space<semaphore_mem>>) src(%arg2 : memref<12288xf32, #tpu.memory_space<hbm>>) dst(%arg7 : memref<12288xf32, #tpu.memory_space<vmem>>)
      tpu.yield
    }) : () -> ()
    "tpu.region"() ({
      %run_scoped3A = tpu.sem_alloc : memref<!tpu.dma_semaphore, #tpu.memory_space<semaphore_mem>>
      %dma_start3A = tpu.memref_slice %arg3[%mul3A_2] : memref<65536xi32, #tpu.memory_space<hbm>> -> memref<2048xi32, #tpu.memory_space<hbm>>
      %dma_start3A_22 = tpu.memref_slice %arg3[%mul3A_2] : memref<65536xi32, #tpu.memory_space<hbm>> -> memref<2048xi32, #tpu.memory_space<hbm>>
      tpu.enqueue_dma source(%dma_start3A_22 : memref<2048xi32, #tpu.memory_space<hbm>>) target(%arg8 : memref<2048xi32, #tpu.memory_space<vmem>>) target_semaphore(%run_scoped3A : memref<!tpu.dma_semaphore, #tpu.memory_space<semaphore_mem>>)
      %dma_wait3A = tpu.memref_slice %arg3[%mul3A_2] : memref<65536xi32, #tpu.memory_space<hbm>> -> memref<2048xi32, #tpu.memory_space<hbm>>
      %dma_wait3A_23 = tpu.memref_slice %arg3[%mul3A_2] : memref<65536xi32, #tpu.memory_space<hbm>> -> memref<2048xi32, #tpu.memory_space<hbm>>
      tpu.wait_dma2 semaphore(%run_scoped3A : memref<!tpu.dma_semaphore, #tpu.memory_space<semaphore_mem>>) src(%dma_wait3A_23 : memref<2048xi32, #tpu.memory_space<hbm>>) dst(%arg8 : memref<2048xi32, #tpu.memory_space<vmem>>)
      tpu.yield
    }) : () -> ()
    %add3A_3 = arith.constant 0 : i32
    %add3A_4 = arith.addi %add3A_3, %mul3A_2 : i32
    "tpu.region"() ({
      %run_scoped3A = tpu.sem_alloc : memref<!tpu.dma_semaphore, #tpu.memory_space<semaphore_mem>>
      %dma_start3A = tpu.memref_slice %arg4[%add3A_4] : memref<196608xf32, #tpu.memory_space<hbm>> -> memref<2048xf32, #tpu.memory_space<hbm>>
      %dma_start3A_22 = tpu.memref_slice %arg4[%add3A_4] : memref<196608xf32, #tpu.memory_space<hbm>> -> memref<2048xf32, #tpu.memory_space<hbm>>
      tpu.enqueue_dma source(%dma_start3A_22 : memref<2048xf32, #tpu.memory_space<hbm>>) target(%arg9 : memref<2048xf32, #tpu.memory_space<vmem>>) target_semaphore(%run_scoped3A : memref<!tpu.dma_semaphore, #tpu.memory_space<semaphore_mem>>)
      %dma_wait3A = tpu.memref_slice %arg4[%add3A_4] : memref<196608xf32, #tpu.memory_space<hbm>> -> memref<2048xf32, #tpu.memory_space<hbm>>
      %dma_wait3A_23 = tpu.memref_slice %arg4[%add3A_4] : memref<196608xf32, #tpu.memory_space<hbm>> -> memref<2048xf32, #tpu.memory_space<hbm>>
      tpu.wait_dma2 semaphore(%run_scoped3A : memref<!tpu.dma_semaphore, #tpu.memory_space<semaphore_mem>>) src(%dma_wait3A_23 : memref<2048xf32, #tpu.memory_space<hbm>>) dst(%arg9 : memref<2048xf32, #tpu.memory_space<vmem>>)
      tpu.yield
    }) : () -> ()
    %add3A_5 = arith.constant 65536 : i32
    %add3A_6 = arith.addi %add3A_5, %mul3A_2 : i32
    "tpu.region"() ({
      %run_scoped3A = tpu.sem_alloc : memref<!tpu.dma_semaphore, #tpu.memory_space<semaphore_mem>>
      %dma_start3A = tpu.memref_slice %arg4[%add3A_6] : memref<196608xf32, #tpu.memory_space<hbm>> -> memref<2048xf32, #tpu.memory_space<hbm>>
      %dma_start3A_22 = tpu.memref_slice %arg4[%add3A_6] : memref<196608xf32, #tpu.memory_space<hbm>> -> memref<2048xf32, #tpu.memory_space<hbm>>
      tpu.enqueue_dma source(%dma_start3A_22 : memref<2048xf32, #tpu.memory_space<hbm>>) target(%arg10 : memref<2048xf32, #tpu.memory_space<vmem>>) target_semaphore(%run_scoped3A : memref<!tpu.dma_semaphore, #tpu.memory_space<semaphore_mem>>)
      %dma_wait3A = tpu.memref_slice %arg4[%add3A_6] : memref<196608xf32, #tpu.memory_space<hbm>> -> memref<2048xf32, #tpu.memory_space<hbm>>
      %dma_wait3A_23 = tpu.memref_slice %arg4[%add3A_6] : memref<196608xf32, #tpu.memory_space<hbm>> -> memref<2048xf32, #tpu.memory_space<hbm>>
      tpu.wait_dma2 semaphore(%run_scoped3A : memref<!tpu.dma_semaphore, #tpu.memory_space<semaphore_mem>>) src(%dma_wait3A_23 : memref<2048xf32, #tpu.memory_space<hbm>>) dst(%arg10 : memref<2048xf32, #tpu.memory_space<vmem>>)
      tpu.yield
    }) : () -> ()
    %add3A_7 = arith.constant 131072 : i32
    %add3A_8 = arith.addi %add3A_7, %mul3A_2 : i32
    "tpu.region"() ({
      %run_scoped3A = tpu.sem_alloc : memref<!tpu.dma_semaphore, #tpu.memory_space<semaphore_mem>>
      %dma_start3A = tpu.memref_slice %arg4[%add3A_8] : memref<196608xf32, #tpu.memory_space<hbm>> -> memref<2048xf32, #tpu.memory_space<hbm>>
      %dma_start3A_22 = tpu.memref_slice %arg4[%add3A_8] : memref<196608xf32, #tpu.memory_space<hbm>> -> memref<2048xf32, #tpu.memory_space<hbm>>
      tpu.enqueue_dma source(%dma_start3A_22 : memref<2048xf32, #tpu.memory_space<hbm>>) target(%arg11 : memref<2048xf32, #tpu.memory_space<vmem>>) target_semaphore(%run_scoped3A : memref<!tpu.dma_semaphore, #tpu.memory_space<semaphore_mem>>)
      %dma_wait3A = tpu.memref_slice %arg4[%add3A_8] : memref<196608xf32, #tpu.memory_space<hbm>> -> memref<2048xf32, #tpu.memory_space<hbm>>
      %dma_wait3A_23 = tpu.memref_slice %arg4[%add3A_8] : memref<196608xf32, #tpu.memory_space<hbm>> -> memref<2048xf32, #tpu.memory_space<hbm>>
      tpu.wait_dma2 semaphore(%run_scoped3A : memref<!tpu.dma_semaphore, #tpu.memory_space<semaphore_mem>>) src(%dma_wait3A_23 : memref<2048xf32, #tpu.memory_space<hbm>>) dst(%arg11 : memref<2048xf32, #tpu.memory_space<vmem>>)
      tpu.yield
    }) : () -> ()
    %broadcast_in_dim3A = arith.constant 0.000000e+00 : f32
    %broadcast_in_dim3A_9 = vector.broadcast %broadcast_in_dim3A : f32 to vector<16xf32>
    %scan3A = arith.constant 0 : i32
    %scan3A_10 = arith.constant 128 : i32
    %scan3A_11 = arith.addi %scan3A, %scan3A_10 : i32
    %scan3A_12 = arith.constant 1 : i32
    %scan3A_13 = scf.for %scan3A_22 = %scan3A to %scan3A_11 step %scan3A_12 iter_args(%scan3A_23 = %broadcast_in_dim3A_9) -> (vector<16xf32>)  : i32 {
      %mul3A_24 = arith.constant 16 : i32
      %mul3A_25 = arith.muli %scan3A_22, %mul3A_24 : i32
      %get3A = arith.index_cast %mul3A_25 : i32 to index
      %get3A_26 = tpu.vector_load %arg8[%get3A] {strides = array<i32>} : memref<2048xi32, #tpu.memory_space<vmem>>, vector<16xi32>,
      %mul3A_27 = arith.constant 16 : i32
      %mul3A_28 = arith.muli %scan3A_22, %mul3A_27 : i32
      %get3A_29 = arith.index_cast %mul3A_28 : i32 to index
      %get3A_30 = tpu.vector_load %arg9[%get3A_29] {strides = array<i32>} : memref<2048xf32, #tpu.memory_space<vmem>>, vector<16xf32>,
      %add3A_31 = arith.constant 0 : i32
      %add3A_32 = vector.broadcast %add3A_31 : i32 to vector<16xi32>
      %add3A_33 = arith.addi %get3A_26, %add3A_32 : vector<16xi32>
      %gather3A = tpu.vector_load_idx %arg7[%add3A_33] : memref<12288xf32, #tpu.memory_space<vmem>>[vector<16xi32>], vector<16xf32>,
      %sub3A = arith.subf %gather3A, %get3A_30 : vector<16xf32>
      %add3A_34 = arith.addf %get3A_30, %sub3A : vector<16xf32>
      %mul3A_35 = arith.constant 16 : i32
      %mul3A_36 = arith.muli %scan3A_22, %mul3A_35 : i32
      %swap3A_37 = arith.index_cast %mul3A_36 : i32 to index
      %swap3A_38 = tpu.vector_load %arg12[%swap3A_37] {strides = array<i32>} : memref<2048xf32, #tpu.memory_space<vmem>>, vector<16xf32>,
      tpu.vector_store %arg12[%swap3A_37], %add3A_34 {strides = array<i32>} : memref<2048xf32, #tpu.memory_space<vmem>>, vector<16xf32>,
      %mul3A_39 = arith.mulf %sub3A, %sub3A : vector<16xf32>
      %add3A_40 = arith.addf %scan3A_23, %mul3A_39 : vector<16xf32>
      %mul3A_41 = arith.constant 16 : i32
      %mul3A_42 = arith.muli %scan3A_22, %mul3A_41 : i32
      %get3A_43 = arith.index_cast %mul3A_42 : i32 to index
      %get3A_44 = tpu.vector_load %arg10[%get3A_43] {strides = array<i32>} : memref<2048xf32, #tpu.memory_space<vmem>>, vector<16xf32>,
      %add3A_45 = arith.constant 4096 : i32
      %add3A_46 = vector.broadcast %add3A_45 : i32 to vector<16xi32>
      %add3A_47 = arith.addi %get3A_26, %add3A_46 : vector<16xi32>
      %gather3A_48 = tpu.vector_load_idx %arg7[%add3A_47] : memref<12288xf32, #tpu.memory_space<vmem>>[vector<16xi32>], vector<16xf32>,
      %sub3A_49 = arith.subf %gather3A_48, %get3A_44 : vector<16xf32>
      %add3A_50 = arith.addf %get3A_44, %sub3A_49 : vector<16xf32>
      %mul3A_51 = arith.constant 16 : i32
      %mul3A_52 = arith.muli %scan3A_22, %mul3A_51 : i32
      %swap3A_53 = arith.index_cast %mul3A_52 : i32 to index
      %swap3A_54 = tpu.vector_load %arg13[%swap3A_53] {strides = array<i32>} : memref<2048xf32, #tpu.memory_space<vmem>>, vector<16xf32>,
      tpu.vector_store %arg13[%swap3A_53], %add3A_50 {strides = array<i32>} : memref<2048xf32, #tpu.memory_space<vmem>>, vector<16xf32>,
      %mul3A_55 = arith.mulf %sub3A_49, %sub3A_49 : vector<16xf32>
      %add3A_56 = arith.addf %add3A_40, %mul3A_55 : vector<16xf32>
      %mul3A_57 = arith.constant 16 : i32
      %mul3A_58 = arith.muli %scan3A_22, %mul3A_57 : i32
      %get3A_59 = arith.index_cast %mul3A_58 : i32 to index
      %get3A_60 = tpu.vector_load %arg11[%get3A_59] {strides = array<i32>} : memref<2048xf32, #tpu.memory_space<vmem>>, vector<16xf32>,
      %add3A_61 = arith.constant 8192 : i32
      %add3A_62 = vector.broadcast %add3A_61 : i32 to vector<16xi32>
      %add3A_63 = arith.addi %get3A_26, %add3A_62 : vector<16xi32>
      %gather3A_64 = tpu.vector_load_idx %arg7[%add3A_63] : memref<12288xf32, #tpu.memory_space<vmem>>[vector<16xi32>], vector<16xf32>,
      %sub3A_65 = arith.subf %gather3A_64, %get3A_60 : vector<16xf32>
      %add3A_66 = arith.addf %get3A_60, %sub3A_65 : vector<16xf32>
      %mul3A_67 = arith.constant 16 : i32
      %mul3A_68 = arith.muli %scan3A_22, %mul3A_67 : i32
      %swap3A_69 = arith.index_cast %mul3A_68 : i32 to index
      %swap3A_70 = tpu.vector_load %arg14[%swap3A_69] {strides = array<i32>} : memref<2048xf32, #tpu.memory_space<vmem>>, vector<16xf32>,
      tpu.vector_store %arg14[%swap3A_69], %add3A_66 {strides = array<i32>} : memref<2048xf32, #tpu.memory_space<vmem>>, vector<16xf32>,
      %mul3A_71 = arith.mulf %sub3A_65, %sub3A_65 : vector<16xf32>
      %add3A_72 = arith.addf %add3A_56, %mul3A_71 : vector<16xf32>
      scf.yield %add3A_72 : vector<16xf32>
    }
    %scan3A_14 = arith.constant 128 : i32
    %swap3A = arith.constant 0 : index
    %swap3A_15 = tpu.vector_load %arg15[%swap3A] {strides = array<i32>} : memref<16xf32, #tpu.memory_space<vmem>>, vector<16xf32>,
    tpu.vector_store %arg15[%swap3A], %scan3A_13 {strides = array<i32>} : memref<16xf32, #tpu.memory_space<vmem>>, vector<16xf32>,
    %add3A_16 = arith.constant 0 : i32
    %add3A_17 = arith.addi %add3A_16, %mul3A_2 : i32
    "tpu.region"() ({
      %run_scoped3A = tpu.sem_alloc : memref<!tpu.dma_semaphore, #tpu.memory_space<semaphore_mem>>
      %dma_start3A = tpu.memref_slice %arg5[%add3A_17] : memref<196608xf32, #tpu.memory_space<hbm>> -> memref<2048xf32, #tpu.memory_space<hbm>>
      %dma_start3A_22 = tpu.memref_slice %arg5[%add3A_17] : memref<196608xf32, #tpu.memory_space<hbm>> -> memref<2048xf32, #tpu.memory_space<hbm>>
      tpu.enqueue_dma source(%arg12 : memref<2048xf32, #tpu.memory_space<vmem>>) target(%dma_start3A_22 : memref<2048xf32, #tpu.memory_space<hbm>>) target_semaphore(%run_scoped3A : memref<!tpu.dma_semaphore, #tpu.memory_space<semaphore_mem>>)
      %dma_wait3A = tpu.memref_slice %arg5[%add3A_17] : memref<196608xf32, #tpu.memory_space<hbm>> -> memref<2048xf32, #tpu.memory_space<hbm>>
      %dma_wait3A_23 = tpu.memref_slice %arg5[%add3A_17] : memref<196608xf32, #tpu.memory_space<hbm>> -> memref<2048xf32, #tpu.memory_space<hbm>>
      tpu.wait_dma2 semaphore(%run_scoped3A : memref<!tpu.dma_semaphore, #tpu.memory_space<semaphore_mem>>) src(%arg12 : memref<2048xf32, #tpu.memory_space<vmem>>) dst(%dma_wait3A_23 : memref<2048xf32, #tpu.memory_space<hbm>>)
      tpu.yield
    }) : () -> ()
    %add3A_18 = arith.constant 65536 : i32
    %add3A_19 = arith.addi %add3A_18, %mul3A_2 : i32
    "tpu.region"() ({
      %run_scoped3A = tpu.sem_alloc : memref<!tpu.dma_semaphore, #tpu.memory_space<semaphore_mem>>
      %dma_start3A = tpu.memref_slice %arg5[%add3A_19] : memref<196608xf32, #tpu.memory_space<hbm>> -> memref<2048xf32, #tpu.memory_space<hbm>>
      %dma_start3A_22 = tpu.memref_slice %arg5[%add3A_19] : memref<196608xf32, #tpu.memory_space<hbm>> -> memref<2048xf32, #tpu.memory_space<hbm>>
      tpu.enqueue_dma source(%arg13 : memref<2048xf32, #tpu.memory_space<vmem>>) target(%dma_start3A_22 : memref<2048xf32, #tpu.memory_space<hbm>>) target_semaphore(%run_scoped3A : memref<!tpu.dma_semaphore, #tpu.memory_space<semaphore_mem>>)
      %dma_wait3A = tpu.memref_slice %arg5[%add3A_19] : memref<196608xf32, #tpu.memory_space<hbm>> -> memref<2048xf32, #tpu.memory_space<hbm>>
      %dma_wait3A_23 = tpu.memref_slice %arg5[%add3A_19] : memref<196608xf32, #tpu.memory_space<hbm>> -> memref<2048xf32, #tpu.memory_space<hbm>>
      tpu.wait_dma2 semaphore(%run_scoped3A : memref<!tpu.dma_semaphore, #tpu.memory_space<semaphore_mem>>) src(%arg13 : memref<2048xf32, #tpu.memory_space<vmem>>) dst(%dma_wait3A_23 : memref<2048xf32, #tpu.memory_space<hbm>>)
      tpu.yield
    }) : () -> ()
    %add3A_20 = arith.constant 131072 : i32
    %add3A_21 = arith.addi %add3A_20, %mul3A_2 : i32
    "tpu.region"() ({
      %run_scoped3A = tpu.sem_alloc : memref<!tpu.dma_semaphore, #tpu.memory_space<semaphore_mem>>
      %dma_start3A = tpu.memref_slice %arg5[%add3A_21] : memref<196608xf32, #tpu.memory_space<hbm>> -> memref<2048xf32, #tpu.memory_space<hbm>>
      %dma_start3A_22 = tpu.memref_slice %arg5[%add3A_21] : memref<196608xf32, #tpu.memory_space<hbm>> -> memref<2048xf32, #tpu.memory_space<hbm>>
      tpu.enqueue_dma source(%arg14 : memref<2048xf32, #tpu.memory_space<vmem>>) target(%dma_start3A_22 : memref<2048xf32, #tpu.memory_space<hbm>>) target_semaphore(%run_scoped3A : memref<!tpu.dma_semaphore, #tpu.memory_space<semaphore_mem>>)
      %dma_wait3A = tpu.memref_slice %arg5[%add3A_21] : memref<196608xf32, #tpu.memory_space<hbm>> -> memref<2048xf32, #tpu.memory_space<hbm>>
      %dma_wait3A_23 = tpu.memref_slice %arg5[%add3A_21] : memref<196608xf32, #tpu.memory_space<hbm>> -> memref<2048xf32, #tpu.memory_space<hbm>>
      tpu.wait_dma2 semaphore(%run_scoped3A : memref<!tpu.dma_semaphore, #tpu.memory_space<semaphore_mem>>) src(%arg14 : memref<2048xf32, #tpu.memory_space<vmem>>) dst(%dma_wait3A_23 : memref<2048xf32, #tpu.memory_space<hbm>>)
      tpu.yield
    }) : () -> ()
    "tpu.region"() ({
      %run_scoped3A = tpu.sem_alloc : memref<!tpu.dma_semaphore, #tpu.memory_space<semaphore_mem>>
      %dma_start3A = arith.constant 0 : i32
      %dma_start3A_22 = tpu.memref_slice %arg6[%add3A, %dma_start3A] : memref<32x16xf32, #tpu.memory_space<hbm>> -> memref<1x16xf32, #tpu.memory_space<hbm>>
      %dma_start3A_23 = tpu.memref_squeeze %dma_start3A_22 : memref<1x16xf32, #tpu.memory_space<hbm>> -> memref<16xf32, #tpu.memory_space<hbm>>
      %dma_start3A_24 = arith.constant 0 : i32
      %dma_start3A_25 = tpu.memref_slice %arg6[%add3A, %dma_start3A_24] : memref<32x16xf32, #tpu.memory_space<hbm>> -> memref<1x16xf32, #tpu.memory_space<hbm>>
      %dma_start3A_26 = tpu.memref_squeeze %dma_start3A_25 : memref<1x16xf32, #tpu.memory_space<hbm>> -> memref<16xf32, #tpu.memory_space<hbm>>
      tpu.enqueue_dma source(%arg15 : memref<16xf32, #tpu.memory_space<vmem>>) target(%dma_start3A_26 : memref<16xf32, #tpu.memory_space<hbm>>) target_semaphore(%run_scoped3A : memref<!tpu.dma_semaphore, #tpu.memory_space<semaphore_mem>>)
      %dma_wait3A = arith.constant 0 : i32
      %dma_wait3A_27 = tpu.memref_slice %arg6[%add3A, %dma_wait3A] : memref<32x16xf32, #tpu.memory_space<hbm>> -> memref<1x16xf32, #tpu.memory_space<hbm>>
      %dma_wait3A_28 = tpu.memref_squeeze %dma_wait3A_27 : memref<1x16xf32, #tpu.memory_space<hbm>> -> memref<16xf32, #tpu.memory_space<hbm>>
      %dma_wait3A_29 = arith.constant 0 : i32
      %dma_wait3A_30 = tpu.memref_slice %arg6[%add3A, %dma_wait3A_29] : memref<32x16xf32, #tpu.memory_space<hbm>> -> memref<1x16xf32, #tpu.memory_space<hbm>>
      %dma_wait3A_31 = tpu.memref_squeeze %dma_wait3A_30 : memref<1x16xf32, #tpu.memory_space<hbm>> -> memref<16xf32, #tpu.memory_space<hbm>>
      tpu.wait_dma2 semaphore(%run_scoped3A : memref<!tpu.dma_semaphore, #tpu.memory_space<semaphore_mem>>) src(%arg15 : memref<16xf32, #tpu.memory_space<vmem>>) dst(%dma_wait3A_31 : memref<16xf32, #tpu.memory_space<hbm>>)
      tpu.yield
    }) : () -> ()
    return
  }
}

module attributes {stable_mosaic.version = 14 : i64} {
  func.func @_tc_argmin_body(%arg0: i32, %arg1: memref<3x2048xf32, #tpu.memory_space<vmem>>, %arg2: memref<4096x4xf32, #tpu.memory_space<vmem>>, %arg3: memref<1x2048xf32, #tpu.memory_space<vmem>>, %arg4: memref<4096x1xf32, #tpu.memory_space<vmem>>, %arg5: memref<1x2048xi32, #tpu.memory_space<vmem>>) attributes {dimension_semantics = [#tpu.dimension_semantics<arbitrary>], iteration_bounds = array<i64: 32>, scalar_prefetch = 0 : i64, scratch_operands = 0 : i64, tpu.core_type = #tpu.core_type<tc>, window_params = [{transform_indices = @transform_0, window_bounds = array<i64: 3, 2048>}, {pipeline_mode = #tpu.pipeline_mode<synchronous>, transform_indices = @transform_1, window_bounds = array<i64: 4096, 4>}, {transform_indices = @transform_2, window_bounds = array<i64: 1, 2048>}, {pipeline_mode = #tpu.pipeline_mode<synchronous>, transform_indices = @transform_3, window_bounds = array<i64: 4096, 1>}, {transform_indices = @transform_4, window_bounds = array<i64: 1, 2048>}]} {
    %get3A = arith.constant 0 : index
    %get3A_0 = arith.constant 0 : index
    %get3A_1 = vector.load %arg1[%get3A, %get3A_0] : memref<3x2048xf32, #tpu.memory_space<vmem>>, vector<3x2048xf32>
    %convert_element_type3A = arith.truncf %get3A_1 : vector<3x2048xf32> to vector<3x2048xbf16>
    %convert_element_type3A_2 = arith.extf %convert_element_type3A : vector<3x2048xbf16> to vector<3x2048xf32>
    %get3A_3 = arith.constant 0 : index
    %get3A_4 = arith.constant 0 : index
    %get3A_5 = vector.load %arg3[%get3A_3, %get3A_4] : memref<1x2048xf32, #tpu.memory_space<vmem>>, vector<1x2048xf32>
    %concatenate3A = tpu.concatenate %convert_element_type3A_2, %get3A_5 in 0 : vector<3x2048xf32>, vector<1x2048xf32> -> vector<4x2048xf32>
    %get3A_6 = arith.constant 0 : index
    %get3A_7 = arith.constant 0 : index
    %get3A_8 = vector.load %arg2[%get3A_6, %get3A_7] : memref<4096x4xf32, #tpu.memory_space<vmem>>, vector<4096x4xf32>
    %dot_general3A = arith.constant dense<0.000000e+00> : vector<4096x2048xf32>
    %dot_general3A_9 = tpu.matmul %get3A_8, %concatenate3A, %dot_general3A {dimension_numbers = #tpu.dot_dimension_numbers<[1], [0], [0], [1], [0, 0, 1, 1], [], []>, transpose_lhs_hint = false} : vector<4096x4xf32>, vector<4x2048xf32>, vector<4096x2048xf32> -> vector<4096x2048xf32>
    %get3A_10 = arith.constant 0 : index
    %get3A_11 = arith.constant 0 : index
    %get3A_12 = vector.load %arg4[%get3A_10, %get3A_11] : memref<4096x1xf32, #tpu.memory_space<vmem>>, vector<4096x1xf32>
    %add3A = vector.broadcast %get3A_12 : vector<4096x1xf32> to vector<4096x2048xf32>
    %add3A_13 = arith.addf %dot_general3A_9, %add3A : vector<4096x2048xf32>
    %argmin3A = tpu.reduce_index %add3A_13 {axis = 0 : i32, kind = #tpu.reduction_kind<arg_min>} : vector<4096x2048xf32> -> vector<2048xi32>
    %broadcast_in_dim3A = vector.shape_cast %argmin3A : vector<2048xi32> to vector<1x2048xi32>
    %swap3A = arith.constant 0 : index
    %swap3A_14 = arith.constant 0 : index
    %swap3A_15 = vector.load %arg5[%swap3A, %swap3A_14] : memref<1x2048xi32, #tpu.memory_space<vmem>>, vector<1x2048xi32>
    tpu.vector_store %arg5[%swap3A, %swap3A_14], %broadcast_in_dim3A {strides = array<i32>} : memref<1x2048xi32, #tpu.memory_space<vmem>>, vector<1x2048xi32>,
    return
  }
  func.func @transform_0(%arg0: i32) -> (i32, i32) {
    %c0_i32 = arith.constant 0 : i32
    %c0_i32_0 = arith.constant 0 : i32
    return %c0_i32, %arg0 : i32, i32
  }
  func.func @transform_1(%arg0: i32) -> (i32, i32) {
    %c0_i32 = arith.constant 0 : i32
    %c0_i32_0 = arith.constant 0 : i32
    %c0_i32_1 = arith.constant 0 : i32
    return %c0_i32, %c0_i32_0 : i32, i32
  }
  func.func @transform_2(%arg0: i32) -> (i32, i32) {
    %c0_i32 = arith.constant 0 : i32
    %c0_i32_0 = arith.constant 0 : i32
    return %c0_i32, %arg0 : i32, i32
  }
  func.func @transform_3(%arg0: i32) -> (i32, i32) {
    %c0_i32 = arith.constant 0 : i32
    %c0_i32_0 = arith.constant 0 : i32
    %c0_i32_1 = arith.constant 0 : i32
    return %c0_i32, %c0_i32_0 : i32, i32
  }
  func.func @transform_4(%arg0: i32) -> (i32, i32) {
    %c0_i32 = arith.constant 0 : i32
    %c0_i32_0 = arith.constant 0 : i32
    return %c0_i32, %arg0 : i32, i32
  }
}

</mosaic_0001>

<sc_bundles>
// kernel: kernel.4.cloned.1.call-start
scs
__scs_entry_jumppad:
0x0: {  	(pc) =	sbr.rel $0x88, $3  }
0x1: {  	(tag) =	ssettag $0x0;
	lr =	simm.s32 $0x1  }
0x2: {  	[smem:$0x3F9F] =	sst lr;
	_ =	strace $0xD0000000  }
0x3: {  	_ = 	snop  }
0x4: {  	_ = 	snop  }
0x5: {  	_ = 	snop  }
0x6: {  	_ = 	snop  }
0x7: {  	_ = 	snop  }
__scs_overlays_trampoline_lowered:
0x8: {  	[smem:$0x3FAE] =	sst s0  }
0x9: {  	[smem:$0x3FAF] =	sst s1  }
0xa: {  	[smem:$0x3FB0] =	sst s2  }
0xb: {  	[smem:$0x3FB1] =	sst s3  }
0xc: {  	[smem:$0x3FB2] =	sst s4  }
0xd: {  	[smem:$0x3FB3] =	sst s5  }
0xe: {  	[smem:$0x3FB4] =	sst s6  }
0xf: {  	[smem:$0x3FB5] =	sst s7  }
0x10: {  	[smem:$0x3FB6] =	sst s8  }
0x11: {  	[smem:$0x3FB7] =	sst s9;
	s0 =	simm.s32 @!p0 $0x0  }
0x12: {  	s1 =	sld [smem:$0x3F9D];
	s0 =	simm.s32 @p0 $0x1  }
0x13: {  	[smem:$0x3FB8] =	sst s0;
	s0 =	simm.s32 @!p1 $0x0  }
0x14: {  	s2 =	sld [smem:$0x3F9C];
	s0 =	simm.s32 @p1 $0x1  }
0x15: {  	[smem:$0x3FB9] =	sst s0;
	s0 =	simm.s32 @!p2 $0x0  }
0x16: {  	s3 =	sld [smem:$0x3FDB];
	s0 =	simm.s32 @p2 $0x1  }
0x17: {  	s4 =	simm.s32 $0x1BF5;
	[smem:$0x3FBB] =	sst s0  }
0x18: {  	s0 =	sld [smem:$0x3F9E];
	_ =	swait.ge [sflag:s4], $0x0  }
0x19: {  	s7 =	sld [smem:$0x3F9F]  }
0x1a: {  	s8 =	sadd.s32 $0xFFFFE003, lr  }
0x1b: {  	s9 =	sadd.s32 $0xFFFFFEF7, lr;
	s5 =	simm.s32 $0xFFFFFFFF;
	p2 =	slt.u32 s8, $0xFFFFF086  }
0x1c: {  	p1 =	slt.u32 s9, $0xF7A;
	s5 =	simm.s32 @!p2 $0x0  }
0x1d: {  	s5 =	simm.s32 @p1 $0x1;
	p0 =	seq.s32 s7, s2  }
0x1e: {  	s7 =	smul.u32 @!p0 $0xF7A, s2;
	p2 =	seq.s32 @!p0 s5, $0x0  }
0x1f: {  	s9 =	smul.u32 $0xF7A, s1;
	s8 =	simm.s32 @!p0 $0x1BF5;
	p2 =	por !p2, p0  }
0x20: {  	[sflag:s8] =	ssyncset.s32 @!p0 $0xFFFFF086;
	s6 =	sadd.s32 @!p0 s3, s7;
	s7 =	simm.s32 @!p0 $0x108  }
0x21: {  	s3 =	sadd.s32 s3, s9;
	s6 =	sadd.s32 @!p0 $0x88, s6;
	s7 =	simm.s32 @p2 $0x1082  }
0x22: {  	[simem:s7], [sflag:s8] =	dma.local @!p0 [hbm:s6], $0xF7A  }
0x23: {  	s9 =	sor.u32 $0xD0000000, s2;
	s6 =	simm.s32 $0x108;
	_ =	swait.ge @!p0 [sflag:s8], $0x0  }
0x24: {  	s3 =	sadd.s32 $0x88, s3;
	s6 =	simm.s32 @!p1 $0x1082;
	[sflag:s4] =	ssyncset.s32 $0xFFFFF086  }
0x25: {  	[simem:s6], [sflag:s4] =	dma.local [hbm:s3], $0xF7A  }
0x26: {  	[smem:$0x3F9F] =	sst s1;
	(tag) =	ssettag s2;
	_ =	strace s9  }
0x27: {  	s1 =	sld [smem:$0x3FAF]  }
0x28: {  	s2 =	sld [smem:$0x3FB0]  }
0x29: {  	s4 =	sld [smem:$0x3FB2]  }
0x2a: {  	p0 =	seq.s32 s5, $0x0;
	s5 =	sld [smem:$0x3FB3]  }
0x2b: {  	s6 =	sld [smem:$0x3FB4]  }
0x2c: {  	s7 =	sld [smem:$0x3FB5]  }
0x2d: {  	s3 =	simm.s32 $0x108;
	s8 =	sld [smem:$0x3FB6]  }
0x2e: {  	s3 =	simm.s32 @!p0 $0x1082;
	s9 =	sld [smem:$0x3FB7]  }
0x2f: {  	lr =	sadd.s32 s0, s3;
	s0 =	sld [smem:$0x3FAE]  }
0x30: {  	s3 =	sld [smem:$0x3FB1]  }
0x31: {  	[smem:$0x3FBA] =	sst s10  }
0x32: {  	s10 =	sld [smem:$0x3FB8];
	_ =	sdelay $0x3  }
0x33: {  	p0 =	seq.s32 s10, $0x1;
	s10 =	sld [smem:$0x3FBA];
	_ =	sdelay $0x3  }
0x34: {  	[smem:$0x3FBA] =	sst s10  }
0x35: {  	s10 =	sld [smem:$0x3FB9];
	_ =	sdelay $0x3  }
0x36: {  	p1 =	seq.s32 s10, $0x1;
	s10 =	sld [smem:$0x3FBA];
	_ =	sdelay $0x3  }
0x37: {  	[smem:$0x3FBA] =	sst s10  }
0x38: {  	s10 =	sld [smem:$0x3FBB]  }
0x39: {  	_ = 	snop;
	(pc) =	sbr.ind lr, $3  }
0x3a: {  	_ = 	snop  }
0x3b: {  	_ = 	snop  }
0x3c: {  	p2 =	seq.s32 s10, $0x1;
	s10 =	sld [smem:$0x3FBA]  }
0x3d: {  	_ =	shalt  }
0x3e: {  	_ =	shalt  }
0x3f: {  	_ =	shalt  }
0x40: {  	_ =	shalt  }
0x41: {  	_ =	shalt  }
0x42: {  	_ =	shalt  }
0x43: {  	_ =	shalt  }
0x44: {  	_ =	shalt  }
0x45: {  	_ =	shalt  }
0x46: {  	_ =	shalt  }
0x47: {  	_ =	shalt  }
0x48: {  	_ =	shalt  }
0x49: {  	_ =	shalt  }
0x4a: {  	_ =	shalt  }
0x4b: {  	_ =	shalt  }
0x4c: {  	_ =	shalt  }
0x4d: {  	_ =	shalt  }
0x4e: {  	_ =	shalt  }
0x4f: {  	_ =	shalt  }
0x50: {  	_ =	shalt  }
0x51: {  	_ =	shalt  }
0x52: {  	_ =	shalt  }
0x53: {  	_ =	shalt  }
0x54: {  	_ =	shalt  }
0x55: {  	_ =	shalt  }
0x56: {  	_ =	shalt  }
0x57: {  	_ =	shalt  }
0x58: {  	_ =	shalt  }
0x59: {  	_ =	shalt  }
0x5a: {  	_ =	shalt  }
0x5b: {  	_ =	shalt  }
0x5c: {  	_ =	shalt  }
0x5d: {  	_ =	shalt  }
0x5e: {  	_ =	shalt  }
0x5f: {  	_ =	shalt  }
0x60: {  	_ =	shalt  }
0x61: {  	_ =	shalt  }
0x62: {  	_ =	shalt  }
0x63: {  	_ =	shalt  }
0x64: {  	_ =	shalt  }
0x65: {  	_ =	shalt  }
0x66: {  	_ =	shalt  }
0x67: {  	_ =	shalt  }
0x68: {  	_ =	shalt  }
0x69: {  	_ =	shalt  }
0x6a: {  	_ =	shalt  }
0x6b: {  	_ =	shalt  }
0x6c: {  	_ =	shalt  }
0x6d: {  	_ =	shalt  }
0x6e: {  	_ =	shalt  }
0x6f: {  	_ =	shalt  }
0x70: {  	_ =	shalt  }
0x71: {  	_ =	shalt  }
0x72: {  	_ =	shalt  }
0x73: {  	_ =	shalt  }
0x74: {  	_ =	shalt  }
0x75: {  	_ =	shalt  }
0x76: {  	_ =	shalt  }
0x77: {  	_ =	shalt  }
0x78: {  	_ =	shalt  }
0x79: {  	_ =	shalt  }
0x7a: {  	_ =	shalt  }
0x7b: {  	_ =	shalt  }
0x7c: {  	_ =	shalt  }
0x7d: {  	_ =	shalt  }
0x7e: {  	_ =	shalt  }
0x7f: {  	_ =	shalt  }
0x80: {  	_ =	shalt  }
0x81: {  	_ =	shalt  }
0x82: {  	_ =	shalt  }
0x83: {  	_ =	shalt  }
0x84: {  	_ =	shalt  }
0x85: {  	_ =	shalt  }
0x86: {  	_ =	shalt  }
0x87: {  	_ =	shalt  }
.Lfunc_end0:
.L_simem_size_0:
called_computation_lowered:
.L_overlay_start_0:
0x88: {  	s2 =	sld [smem:$0x3FD9]  }
0x89: {  	s3 =	sld [smem:$0x3FFE];
	_ =	sdelay $0x1  }
0x8a: {  	s1 =	srdreg.scid  }
0x8b: {  	s0 =	sand.u32 $0x1, s1  }
0x8c: {  	s14 =	sshll.u32 s0, $0xA;
	s2 =	sadd.s32 s3, s2  }
0x8d: {  	s2 =	sadd.s32 s2, s14  }
0x8e: {  	[smem:$0x3FC6] =	sst s2  }
0x8f: {  	_ = 	snop  }
0x90: {  	s2 =	sld [smem:$0x3FD0];
	_ =	sdelay $0x2  }
0x91: {  	s15 =	simm.s32 $0xA;
	s4 =	simm.s32 $0x10  }
0x92: {  	[smem:s4], [sflag:s15] =	dma.local [hbm:s2], $0x1  }
0x93: {  	_ =	swait.eq [sflag:s15], $0x1  }
0x94: {  	[sflag:s15] =	ssyncset.done $0x0  }
0x95: {  	[sflag:s15] =	ssyncadd.s32 $0xFFFFFFFF  }
0x96: {  	s16 =	sld [smem:$0x10];
	(tm) =	ssettm $0x1  }
0x97: {  	s17 =	sld [smem:$0x3FFB];
	_ =	sdelay $0x3  }
0x98: {  	_ =	strace s17  }
0x99: {  	s3 =	sld [smem:$0x3FFC];
	_ =	sdelay $0x3  }
0x9a: {  	_ =	strace s3  }
0x9b: {  	s3 =	sld [smem:$0x3FFD];
	_ =	sdelay $0x3  }
0x9c: {  	_ =	strace s3  }
0x9d: {  	_ =	strace $0x8FFFFFFF  }
0x9e: {  	s18 =	sld [smem:$0x3FDB];
	_ =	sdelay $0x1  }
0x9f: {  	s19 =	simm.s32 $_scs_section_size  }
0xa0: {  	s5 =	simm.s32 $_size__tile_overlayer_lowered;
	s6 =	simm.s32 $_tile_overlayer_lowered  }
0xa1: {  	s22 =	simm.s32 $0x1BFF;
	s21 =	sshll.u32 s6, $0x1;
	s3 =	sadd.s32 s19, s18  }
0xa2: {  	s7 =	simm.s32 $0x0;
	s20 =	sshll.u32 s5, $0x1;
	s5 =	sadd.s32 s21, s3  }
0xa3: {  	[timem:s7], [sflag:s22] =	dma.local [hbm:s5], s20  }
0xa4: {  	_ =	swait.ge [sflag:s22], s20  }
0xa5: {  	s4 =	ssub.s32 $0x0, s20;
	[sflag:s22] =	ssyncset.done $0x0  }
0xa6: {  	[sflag:s22] =	ssyncadd.s32 s4;
	_ =	sdelay $0x1  }
0xa7: {  	s23 =	simm.s32 $0x1B8B  }
0xa8: {  	_ =	swait.ge [sflag:s23], $0x1  }
0xa9: {  	[sflag:s23] =	ssyncset.done $0x0  }
0xaa: {  	s25 =	simm.s32 $0x1B8E;
	s24 =	sld [smem:$0x3FFE];
	[sflag:s23] =	ssyncadd.s32 $0xFFFFFFFF  }
0xab: {  	s26 =	simm.s32 $execute0_lowered;
	[smem:$0x3FD2] =	sst s25  }
0xac: {  	s5 =	sshll.u32 s26, $0x1;
	_ =	strace $0x80000046;
	[dreg:$0x1] =	wrdreg $0xFFFFFFFF  }
0xad: {  	s28 =	simm.s32 $_size_execute0_lowered;
	s3 =	sadd.s32 s3, s5;
	[dreg:$0x0] =	wrdreg $0x0  }
0xae: {  	s5 =	sshll.u32 s28, $0x1;
	[dreg:$0x2] =	wrdreg s3  }
0xaf: {  	[dreg:$0x3] =	wrdreg s5  }
0xb0: {  	[dreg:$0x4] =	wrdreg $0xC0  }
0xb1: {  	_ =	task [dreg:s7], $0x5FFFF  }
0xb2: {  	[dreg:$0x1] =	wrdreg $0xFFFFFFFF  }
0xb3: {  	[dreg:$0x0] =	wrdreg $0x60  }
0xb4: {  	[dreg:$0x2] =	wrdreg s24  }
0xb5: {  	[dreg:$0x3] =	wrdreg s16  }
0xb6: {  	[dreg:$0x4] =	wrdreg $0x9  }
0xb7: {  	_ =	task.clear_ibuf [dreg:s7], $0x5FFFF;
	_ =	strace $0x90000046  }
0xb8: {  	s29 =	simm.s32 $0x9;
	_ =	strace $0x80000048  }
0xb9: {  	_ =	swait.ge [sflag:s29], $0x1  }
0xba: {  	[sflag:s29] =	ssyncadd.s32 $0xFFFFFFFF  }
0xbb: {  	_ =	strace $0x90000048  }
0xbc: {  	_ =	sfence  }
0xbd: {  	s30 =	sld [smem:$0x0];
	_ =	sdelay $0x2  }
0xbe: {  	s31 =	sshll.u32 s1, $0xD;
	s1 =	sshrl.u32 s1, $0x2  }
0xbf: {  	s3 =	sand.u32 $0x4000, s31;
	s1 =	sadd.s32 s1, s30  }
0xc0: {  	s0 =	sor.u32 s3, s0;
	s1 =	sshll.u32 s1, $0x11  }
0xc1: {  	s0 =	sor.u32 s1, s0  }
0xc2: {  	s0 =	sadd.s32 $0x8F2B, s0  }
0xc3: {  	[sflag:s0] =	ssyncadd.remote.s32 $0x1  }
0xc4: {  	_ =	sfence.sel $0xFFFF  }
0xc5: {  	[dreg:$0x0] =	wrdreg $0xFFFFFFFF;
	(pc) =	sbr.abs _section_cstart, $3  }
0xc6: {  	[dreg:$0x1] =	wrdreg $0xFFFFFFFF  }
0xc7: {  	_ =	task.clear_ibuf [dreg:s7], $0x2FFFF;
	_ =	strace $0x9FFFFFFF  }
0xc8: {  	(tm) =	ssettm $0x7FFFFFFF  }
0xc9: {  	_ =	shalt  }
tec
execute0_lowered:
.L_overlay_start_1:
0x0: {  	(tag) =	ssettag $0x1  }
0x1: {  	s2 =	rddreg [dreg:$0x0]  }
0x2: {  	s7 =	rddreg [dreg:$0x1]  }
0x3: {  	s0 =	rddreg [dreg:$0x2];
	s4 =	srdreg.scid  }
0x4: {  	s1 =	stileid.u32;
	s3 =	simm.s32 $0x0;
	s14 =	simm.s32 $0x3000  }
0x5: {  	s15 =	simm.s32 $0x3800;
	s16 =	simm.s32 $0x4000;
	s17 =	simm.s32 $0x4800  }
0x6: {  	s18 =	simm.s32 $0x5000;
	s19 =	simm.s32 $0x5800;
	s20 =	simm.s32 $0x6000  }
0x7: {  	s21 =	simm.s32 $0x6800;
	s22 =	simm.s32 $0x0;
	s4 =	sand.u32 $0x1, s4  }
0x8: {  	s5 =	sshll.u32 s1, $0x1;
	[smem:$0x7FF] =	sst s3;
	s10 =	sadd.s32 $0x2600, s2  }
0x9: {  	s5 =	sor.u32 s4, s5;
	_ =	strace $0x80000047;
	s4 =	ssub.s32 $0x2, s4  }
0xa: {  	s8 =	sshll.u32 s5, $0x8;
	s5 =	sshll.u32 s5, $0x4;
	s9 =	sshrl.u32 s4, $0x1  }
0xb: {  	s6 =	sadd.s32 s8, s2;
	s11 =	sadd.s32 s5, s2;
	s12 =	ssub.s32 s4, s9  }
0xc: {  	s31 =	sor.u32 $0x2000, s8;
	s13 =	sor.u32 $0x4000, s8;
	s5 =	sadd.s32 s7, s8  }
0xd: {  	s8 =	sadd.s32 s10, s8;
	s4 =	sadd.s32 $0x600, s6;
	s6 =	sadd.s32 s7, s31  }
0xe: {  	s7 =	sadd.s32 s7, s13;
	s9 =	sadd.s32 s10, s31;
	s10 =	sadd.s32 s10, s13  }
0xf: {  	s11 =	sadd.s32 $0x8600, s11;
	s12 =	smax.u32 s12, $0x1;
	s13 =	simm.s32 $0x1  }
.LBB2_1:
0x10: {  	[tilespmem:s3], [sflag:$0x1] =	stream.linear.gather [hbm4b:s2+s3], $0x3000, $0x38;
	[tilespmem:$0x6880] =	vst v63  }
0x11: {  	_ =	swait.ge [sflag:s13], $0x3000  }
0x12: {  	[sflag:s13] =	ssyncset.done $0x0  }
0x13: {  	[sflag:s13] =	ssyncadd.s32 $0xFFFFD000  }
0x14: {  	[tilespmem:s14], [sflag:$0x1] =	stream.linear.gather [hbm4b:s4+s3], $0x800, $0x38;
	[tilespmem:$0x6880] =	vst v63  }
0x15: {  	_ =	swait.ge [sflag:s13], $0x800  }
0x16: {  	[sflag:s13] =	ssyncset.done $0x0  }
0x17: {  	[sflag:s13] =	ssyncadd.s32 $0xFFFFF800  }
0x18: {  	[tilespmem:s15], [sflag:$0x1] =	stream.linear.gather [hbm4b:s5+s3], $0x800, $0x38;
	[tilespmem:$0x6880] =	vst v63  }
0x19: {  	_ =	swait.ge [sflag:s13], $0x800  }
0x1a: {  	[sflag:s13] =	ssyncset.done $0x0  }
0x1b: {  	[sflag:s13] =	ssyncadd.s32 $0xFFFFF800  }
0x1c: {  	[tilespmem:s16], [sflag:$0x1] =	stream.linear.gather [hbm4b:s6+s3], $0x800, $0x38;
	[tilespmem:$0x6880] =	vst v63  }
0x1d: {  	_ =	swait.ge [sflag:s13], $0x800  }
0x1e: {  	[sflag:s13] =	ssyncset.done $0x0  }
0x1f: {  	[sflag:s13] =	ssyncadd.s32 $0xFFFFF800  }
0x20: {  	[tilespmem:s17], [sflag:$0x1] =	stream.linear.gather [hbm4b:s7+s3], $0x800, $0x38;
	[tilespmem:$0x6880] =	vst v63  }
0x21: {  	_ =	swait.ge [sflag:s13], $0x800  }
0x22: {  	[sflag:s13] =	ssyncset.done $0x0  }
0x23: {  	s23 =	simm.s32 $0x0;
	[sflag:s13] =	ssyncadd.s32 $0xFFFFF800  }
0x24: {  	v0 =	vld [tilespmem:s23+$0x3000];
	_ =	sdelay $0x6  }
0x25: {  	v2 =	vld [tilespmem:s23+$0x3800]  }
0x26: {  	v1 =	vld.idx.msk [tilespmem:v0+s3+$0x0], $0xffff;
	_ =	sdelay $0x4  }
0x27: {  	v3 =	vadd.s32 $0x1000, v0;
	v1 =	vsub.f32 v1, v2;
	_ =	sdelay $0x1  }
0x28: {  	v2 =	vadd.f32 v1, v2;
	_ =	sdelay $0x1  }
0x29: {  	[tilespmem:s23+$0x5000] =	vst v2  }
0x2a: {  	v2 =	vld.idx.msk [tilespmem:v3+s3+$0x0], $0xffff  }
0x2b: {  	v3 =	vld [tilespmem:s23+$0x4000];
	_ =	sdelay $0x4  }
0x2c: {  	v0 =	vadd.s32 $0x2000, v0;
	v2 =	vsub.f32 v2, v3;
	_ =	sdelay $0x1  }
0x2d: {  	v1 =	vmul.f32 v1, v1;
	v3 =	vadd.f32 v2, v3  }
0x2e: {  	v4 =	vimm.f32 $0.0e+00  }
0x2f: {  	v4 =	vadd.f32 v1, v4;
	v2 =	vmul.f32 v2, v2;
	[tilespmem:s23+$0x5800] =	vst v3  }
0x30: {  	v1 =	vld.idx.msk [tilespmem:v0+s3+$0x0], $0xffff  }
0x31: {  	v0 =	vadd.f32 v2, v4;
	v2 =	vld [tilespmem:s23+$0x4800]  }
0x32: {  	s25 =	simm.s32 $0x10;
	s24 =	simm.s32 $0x80  }
.LBB2_2:
0x33: {  	p0 =	sne.s32 s24, $0x1FC0;
	v3 =	vld [tilespmem:s25+$0x3000];
	_ =	sdelay $0x2  }
0x34: {  	v1 =	vsub.f32 v1, v2;
	_ =	sdelay $0x1  }
0x35: {  	v2 =	vadd.f32 v1, v2;
	v1 =	vmul.f32 v1, v1;
	_ =	sdelay $0x1  }
0x36: {  	[tilespmem:s23+$0x6000] =	vst v2;
	v0 =	vadd.f32 v1, v0;
	s23 =	smov.u32 s25  }
0x37: {  	v1 =	vld.idx.msk [tilespmem:v3+s3+$0x0], $0xffff  }
0x38: {  	v2 =	vld [tilespmem:s23+$0x3800];
	_ =	sdelay $0x4  }
0x39: {  	v4 =	vadd.s32 $0x1000, v3;
	v1 =	vsub.f32 v1, v2;
	_ =	sdelay $0x1  }
0x3a: {  	v2 =	vadd.f32 v1, v2;
	v1 =	vmul.f32 v1, v1;
	_ =	sdelay $0x1  }
0x3b: {  	[tilespmem:s23+$0x5000] =	vst v2;
	v0 =	vadd.f32 v1, v0  }
0x3c: {  	v1 =	vld.idx.msk [tilespmem:v4+s3+$0x0], $0xffff  }
0x3d: {  	v2 =	vld [tilespmem:s23+$0x4000];
	_ =	sdelay $0x4  }
0x3e: {  	v3 =	vadd.s32 $0x2000, v3;
	v1 =	vsub.f32 v1, v2;
	_ =	sdelay $0x1  }
0x3f: {  	v2 =	vadd.f32 v1, v2;
	v1 =	vmul.f32 v1, v1  }
.Ltmp0:
0x40: {  	(pc) =	sbr.rel @p0 .LBB2_2-.Ltmp0, $4  }
0x41: {  	[tilespmem:s23+$0x5800] =	vst v2;
	v0 =	vadd.f32 v1, v0  }
0x42: {  	v1 =	vld.idx.msk [tilespmem:v3+s3+$0x0], $0xffff  }
0x43: {  	v2 =	vld [tilespmem:s23+$0x4800]  }
0x44: {  	s25 =	sshra.s32 s24, $0x2;
	s24 =	sadd.s32 $0x40, s24  }
0x45: {  	v3 =	vld [tilespmem:s25+$0x3000];
	_ =	sdelay $0x2  }
0x46: {  	v1 =	vsub.f32 v1, v2;
	_ =	sdelay $0x1  }
0x47: {  	v2 =	vadd.f32 v1, v2;
	_ =	sdelay $0x1  }
0x48: {  	[tilespmem:s23+$0x6000] =	vst v2  }
0x49: {  	v2 =	vld.idx.msk [tilespmem:v3+s3+$0x0], $0xffff  }
0x4a: {  	v4 =	vld [tilespmem:s25+$0x3800];
	_ =	sdelay $0x4  }
0x4b: {  	v5 =	vadd.s32 $0x1000, v3;
	v2 =	vsub.f32 v2, v4;
	_ =	sdelay $0x1  }
0x4c: {  	v4 =	vadd.f32 v2, v4;
	_ =	sdelay $0x1  }
0x4d: {  	v58 =	vld [tilespmem:s25+$0x4000];
	[tilespmem:s25+$0x5000] =	vst v4  }
0x4e: {  	v4 =	vld.idx.msk [tilespmem:v5+s3+$0x0], $0xffff;
	_ =	sdelay $0x4  }
0x4f: {  	v3 =	vadd.s32 $0x2000, v3;
	v4 =	vsub.f32 v4, v58;
	_ =	sdelay $0x1  }
0x50: {  	v5 =	vadd.f32 v4, v58;
	_ =	sdelay $0x1  }
0x51: {  	v59 =	vld [tilespmem:s25+$0x4800];
	[tilespmem:s25+$0x5800] =	vst v5  }
0x52: {  	v3 =	vld.idx.msk [tilespmem:v3+s3+$0x0], $0xffff  }
0x53: {  	v1 =	vmul.f32 v1, v1;
	_ =	sdelay $0x1  }
0x54: {  	v0 =	vadd.f32 v1, v0;
	v60 =	vmul.f32 v2, v2;
	_ =	sdelay $0x1  }
0x55: {  	v0 =	vadd.f32 v60, v0;
	v61 =	vmul.f32 v4, v4;
	v62 =	vsub.f32 v3, v59;
	_ =	sdelay $0x1  }
0x56: {  	v0 =	vadd.f32 v61, v0;
	v63 =	vmul.f32 v62, v62  }
0x57: {  	v2 =	vadd.f32 v62, v59  }
0x58: {  	v0 =	vadd.f32 v63, v0  }
0x59: {  	[tilespmem:s25+$0x6000] =	vst v2  }
0x5a: {  	[tilespmem:$0x6800] =	vst v0  }
0x5b: {  	[hbm4b:s8+s3] =	stream.linear.scatter [tilespmem:s18], [sflag:$0x1], $0x800, $0x38;
	[tilespmem:$0x6880] =	vst v63  }
0x5c: {  	_ =	swait.ge [sflag:s13], $0x800  }
0x5d: {  	[sflag:s13] =	ssyncset.done $0x0  }
0x5e: {  	[sflag:s13] =	ssyncadd.s32 $0xFFFFF800  }
0x5f: {  	[hbm4b:s9+s3] =	stream.linear.scatter [tilespmem:s19], [sflag:$0x1], $0x800, $0x38;
	[tilespmem:$0x6880] =	vst v63  }
0x60: {  	_ =	swait.ge [sflag:s13], $0x800  }
0x61: {  	[sflag:s13] =	ssyncset.done $0x0  }
0x62: {  	[sflag:s13] =	ssyncadd.s32 $0xFFFFF800  }
0x63: {  	[hbm4b:s10+s3] =	stream.linear.scatter [tilespmem:s20], [sflag:$0x1], $0x800, $0x38;
	[tilespmem:$0x6880] =	vst v63  }
0x64: {  	s22 =	sadd.s32 $0x1, s22;
	_ =	swait.ge [sflag:s13], $0x800  }
0x65: {  	p0 =	sne.s32 s22, s12;
	[sflag:s13] =	ssyncset.done $0x0  }
.Ltmp1:
0x66: {  	[sflag:s13] =	ssyncadd.s32 $0xFFFFF800;
	(pc) =	sbr.rel @p0 .LBB2_1-.Ltmp1, $4  }
0x67: {  	[hbm4b:s11+s3] =	stream.linear.scatter [tilespmem:s21], [sflag:$0x1], $0x80, $0x38;
	[tilespmem:$0x6880] =	vst v63  }
0x68: {  	_ =	swait.ge [sflag:s13], $0x80  }
0x69: {  	[sflag:s13] =	ssyncset.done $0x0  }
0x6a: {  	[sflag:s13] =	ssyncadd.s32 $0xFFFFFF80  }
0x6b: {  	_ =	sfence.sel $0x180000  }
0x6c: {  	[bflag:$0x0] =	sbarrier.arrive $0xFFFF  }
0x6d: {  	p0 =	sne.s32 s1, $0x0;
	_ =	strace $0x90000047  }
0x6e: {  	s0 =	sadd.s32 @!p0 $0x100000, s0;
	[bflag:$0x2] =	sbarrier.arrive $0xFFFF  }
0x6f: {  	[sflag:s0] =	ssyncadd.tile.s32 @!p0 $0x1;
	_ =	shalt  }
.Lfunc_end2:
_tile_overlayer_lowered:
.L_overlay_start_2:
0x70: {  	(tag) =	ssettag $0x2  }
0x71: {  	s0 =	rddreg [dreg:$0x0];
	s2 =	stileid.u32  }
0x72: {  	s1 =	rddreg [dreg:$0x1];
	p0 =	sne.s32 s2, $0x0  }
0x73: {  	s3 =	rddreg [dreg:$0x2];
	[bflag:$0x3] =	sbarrier.arrive $0xFFFF;
	s2 =	simm.s32 @!p0 $0x1C01  }
0x74: {  	[timem:s3], [sflag:s2] =	dma.local @!p0 [hbm:s0], s1  }
0x75: {  	s0 =	simm.s32 @!p0 $0x1  }
0x76: {  	_ =	swait.ge @!p0 [sflag:s0], s1  }
0x77: {  	s1 =	ssub.s32 @!p0 $0x0, s1;
	[sflag:s0] =	ssyncset.done @!p0 $0x0  }
0x78: {  	[sflag:s0] =	ssyncadd.s32 @!p0 s1  }
0x79: {  	[bflag:$0x3] =	sbarrier.arrive $0xFFFF  }
0x7a: {  	_ =	shalt  }

</sc_bundles>
